<compile_context>
chip_gen: v7x
topology: tpu7x:2x2x1
jax: 0.10.2.dev20260603
libtpu: 0.0.44.dev20260713+nightly
codegen_flags: <defaults>
</compile_context>

<pallas_src>
import jax
import jax.numpy as jnp
from jax import lax
from jax.experimental import pallas as pl
from jax.experimental.pallas import tpu as pltpu
from jax.experimental.pallas import tpu_sc as plsc

NUM_WORKERS = 32
ROWS_PER_WORKER = 512
CHUNK_SIZES = (128, 128, 128, 128)
CHUNK_OFFS = (0, 128, 256, 384)


def _gather_kernel(idx_hbm, table_hbm, out_hbm, idx_v, rows_v, tbl_sh, *sems):
    sid = lax.axis_index("s")
    wid = sid * 2 + lax.axis_index("c")
    base = wid * ROWS_PER_WORKER
    sem_o = sems[len(CHUNK_SIZES)]
    idx_cp = pltpu.async_copy(idx_hbm.at[wid], idx_v, sems[0])

    @pl.when(sid == 0)
    def _stage_table():
        pltpu.sync_copy(table_hbm, tbl_sh)

    plsc.subcore_barrier()
    idx_cp.wait()

    gathers = [
        pltpu.async_copy(tbl_sh.at[idx_v.at[pl.ds(off, n)]],
                         rows_v.at[pl.ds(off, n)], sems[j])
        for j, (off, n) in enumerate(zip(CHUNK_OFFS, CHUNK_SIZES))
    ]
    writes = []
    for j, (off, n) in enumerate(zip(CHUNK_OFFS, CHUNK_SIZES)):
        gathers[j].wait()
        writes.append(
            pltpu.async_copy(rows_v.at[pl.ds(off, n)],
                             out_hbm.at[pl.ds(base + off, n)], sem_o))
    for c in writes:
        c.wait()


def kernel(indices, table):
    batch = indices.shape[0]
    keys, dims = table.shape
    idx2d = indices.astype(jnp.int32).reshape(NUM_WORKERS, ROWS_PER_WORKER)
    mesh = plsc.VectorSubcoreMesh(core_axis_name="c", subcore_axis_name="s")
    out = pl.kernel(
        _gather_kernel,
        out_type=jax.ShapeDtypeStruct((batch, dims), jnp.float32),
        mesh=mesh,
        scratch_types=[
            pltpu.VMEM((ROWS_PER_WORKER,), jnp.int32),
            pltpu.VMEM((ROWS_PER_WORKER, dims), jnp.float32),
            pltpu.VMEM_SHARED((keys, dims), jnp.float32),
        ] + [pltpu.SemaphoreType.DMA] * (len(CHUNK_SIZES) + 1),
    )(idx2d, table)
    return out

# --- scband reference (transcript-rebuilt; emitter-appended) ---
"""Pipeline reference for scband-code-dict-83219286327806 (READ-ONLY COPY).

The authoritative reference and input builder live on the scoring server;
editing this copy changes nothing except your own understanding.
"""

import jax, jax.numpy as jnp
import numpy as np

NUM_KEYS = 100
NUM_DIMS = 128
BATCH = 16384


def setup_inputs(seed: int = 0) -> dict:
    key = jax.random.key(seed)
    k1, k2 = jax.random.split(key)
    # The torch module stores one (1, num_dims) Parameter per string key in a
    # ParameterDict; the dense equivalent is a (NUM_KEYS, NUM_DIMS) table where
    # row i corresponds to key 'k{i}'. Params are initialized to zeros in torch;
    # we use randn here so outputs/grads are non-trivial.
    table = jax.random.normal(k1, (NUM_KEYS, NUM_DIMS), dtype=jnp.float32)
    # motion_batch['motion_id'] is a list of BATCH string keys; we encode it as
    # int64 indices into the table.
    indices = jax.random.randint(k2, (BATCH,), 0, NUM_KEYS, dtype=jnp.int64)
    return {"indices": indices, "table": table}


def reference(indices, table):
    # get_stats: [self.param[sample] for sample in motion_batch[key_type]] then cat(dim=0)
    # Each param is (1, num_dims), so concatenation of BATCH lookups == row gather.
    code = jnp.take(table, indices, axis=0)  # (BATCH, NUM_DIMS)
    # forward returns {'code': code}; we return the array itself.
    return code

if __name__ == "__main__":
    import jax
    _d = setup_inputs()
    print(jax.jit(kernel)(*tuple(_d.values())))

</pallas_src>

<mosaic_0001>
#map = affine_map<(d0, d1) -> (0, 0)>
module attributes {stable_mosaic.version = 14 : i64} {
  func.func @_gather_kernel(%arg0: i32, %arg1: i32, %arg2: memref<32x512xi32, #tpu.memory_space<hbm>>, %arg3: memref<100x128xf32, #tpu.memory_space<hbm>>, %arg4: memref<16384x128xf32, #tpu.memory_space<hbm>>, %arg5: memref<512xi32, #tpu.memory_space<vmem>>, %arg6: memref<512x128xf32, #tpu.memory_space<vmem>>, %arg7: memref<100x128xf32, #tpu.memory_space<vmem_shared>>, %arg8: memref<!tpu.dma_semaphore, #tpu.memory_space<semaphore_mem>>, %arg9: memref<!tpu.dma_semaphore, #tpu.memory_space<semaphore_mem>>, %arg10: memref<!tpu.dma_semaphore, #tpu.memory_space<semaphore_mem>>, %arg11: memref<!tpu.dma_semaphore, #tpu.memory_space<semaphore_mem>>, %arg12: memref<!tpu.dma_semaphore, #tpu.memory_space<semaphore_mem>>) attributes {dimension_semantics = [#tpu.dimension_semantics<core_parallel>, #tpu.dimension_semantics<subcore_parallel>], iteration_bounds = array<i64: 2, 16>, scalar_prefetch = 0 : i64, scratch_operands = 8 : i64, tpu.core_type = #tpu.core_type<sc_vector_subcore>, window_params = [{transform_indices = #map}, {transform_indices = #map}, {transform_indices = #map}]} {
    %mul3A = arith.constant 2 : i32
    %mul3A_0 = arith.muli %arg1, %mul3A : i32
    %add3A = arith.addi %mul3A_0, %arg0 : i32
    %mul3A_1 = arith.constant 512 : i32
    %mul3A_2 = arith.muli %add3A, %mul3A_1 : i32
    %dma_start3A = arith.constant 0 : i32
    %dma_start3A_3 = tpu.memref_slice %arg2[%add3A, %dma_start3A] : memref<32x512xi32, #tpu.memory_space<hbm>> -> memref<1x512xi32, #tpu.memory_space<hbm>>
    %dma_start3A_4 = tpu.memref_squeeze %dma_start3A_3 : memref<1x512xi32, #tpu.memory_space<hbm>> -> memref<512xi32, #tpu.memory_space<hbm>>
    %dma_start3A_5 = arith.constant 0 : i32
    %dma_start3A_6 = tpu.memref_slice %arg2[%add3A, %dma_start3A_5] : memref<32x512xi32, #tpu.memory_space<hbm>> -> memref<1x512xi32, #tpu.memory_space<hbm>>
    %dma_start3A_7 = tpu.memref_squeeze %dma_start3A_6 : memref<1x512xi32, #tpu.memory_space<hbm>> -> memref<512xi32, #tpu.memory_space<hbm>>
    tpu.enqueue_dma source(%dma_start3A_7 : memref<512xi32, #tpu.memory_space<hbm>>) target(%arg5 : memref<512xi32, #tpu.memory_space<vmem>>) target_semaphore(%arg8 : memref<!tpu.dma_semaphore, #tpu.memory_space<semaphore_mem>>)
    %eq3A = arith.constant 0 : i32
    %eq3A_8 = arith.cmpi eq, %arg1, %eq3A : i32
    %convert_element_type3A = arith.extui %eq3A_8 : i1 to i32
    %cond3A = arith.constant 0 : i32
    %cond3A_9 = arith.cmpi ne, %convert_element_type3A, %cond3A : i32
    scf.if %cond3A_9 {
      "tpu.region"() ({
        %run_scoped3A = tpu.sem_alloc : memref<!tpu.dma_semaphore, #tpu.memory_space<semaphore_mem>>
        tpu.enqueue_dma source(%arg3 : memref<100x128xf32, #tpu.memory_space<hbm>>) target(%arg7 : memref<100x128xf32, #tpu.memory_space<vmem_shared>>) target_semaphore(%run_scoped3A : memref<!tpu.dma_semaphore, #tpu.memory_space<semaphore_mem>>)
        tpu.wait_dma2 semaphore(%run_scoped3A : memref<!tpu.dma_semaphore, #tpu.memory_space<semaphore_mem>>) src(%arg3 : memref<100x128xf32, #tpu.memory_space<hbm>>) dst(%arg7 : memref<100x128xf32, #tpu.memory_space<vmem_shared>>)
        tpu.yield
      }) : () -> ()
    } else {
    }
    %barrier3A = arith.constant 0 : index
    tpu.barrier barrier_id(%barrier3A)
    %dma_wait3A = arith.constant 0 : i32
    %dma_wait3A_10 = tpu.memref_slice %arg2[%add3A, %dma_wait3A] : memref<32x512xi32, #tpu.memory_space<hbm>> -> memref<1x512xi32, #tpu.memory_space<hbm>>
    %dma_wait3A_11 = tpu.memref_squeeze %dma_wait3A_10 : memref<1x512xi32, #tpu.memory_space<hbm>> -> memref<512xi32, #tpu.memory_space<hbm>>
    %dma_wait3A_12 = arith.constant 0 : i32
    %dma_wait3A_13 = tpu.memref_slice %arg2[%add3A, %dma_wait3A_12] : memref<32x512xi32, #tpu.memory_space<hbm>> -> memref<1x512xi32, #tpu.memory_space<hbm>>
    %dma_wait3A_14 = tpu.memref_squeeze %dma_wait3A_13 : memref<1x512xi32, #tpu.memory_space<hbm>> -> memref<512xi32, #tpu.memory_space<hbm>>
    tpu.wait_dma2 semaphore(%arg8 : memref<!tpu.dma_semaphore, #tpu.memory_space<semaphore_mem>>) src(%dma_wait3A_14 : memref<512xi32, #tpu.memory_space<hbm>>) dst(%arg5 : memref<512xi32, #tpu.memory_space<vmem>>)
    %dma_start3A_15 = arith.constant 0 : i32
    %dma_start3A_16 = arith.constant 0 : i32
    %dma_start3A_17 = tpu.memref_slice %arg6[%dma_start3A_15, %dma_start3A_16] : memref<512x128xf32, #tpu.memory_space<vmem>> -> memref<128x128xf32, #tpu.memory_space<vmem>>
    %dma_start3A_18 = arith.constant 0 : i32
    %dma_start3A_19 = tpu.memref_slice %arg5[%dma_start3A_18] : memref<512xi32, #tpu.memory_space<vmem>> -> memref<128xi32, #tpu.memory_space<vmem>>
    %dma_start3A_20 = arith.constant 0 : i32
    %dma_start3A_21 = arith.constant 0 : i32
    %dma_start3A_22 = tpu.memref_slice %arg7[%dma_start3A_20, %dma_start3A_21] : memref<100x128xf32, #tpu.memory_space<vmem_shared>> -> memref<100x128xf32, #tpu.memory_space<vmem_shared>>
    tpu.enqueue_indirect_dma source(%dma_start3A_22 : memref<100x128xf32, #tpu.memory_space<vmem_shared>>) target(%dma_start3A_17 : memref<128x128xf32, #tpu.memory_space<vmem>>) offsets(%dma_start3A_19 : memref<128xi32, #tpu.memory_space<vmem>>) semaphore(%arg8 : memref<!tpu.dma_semaphore, #tpu.memory_space<semaphore_mem>>)
    %dma_start3A_23 = arith.constant 128 : i32
    %dma_start3A_24 = arith.constant 0 : i32
    %dma_start3A_25 = tpu.memref_slice %arg6[%dma_start3A_23, %dma_start3A_24] : memref<512x128xf32, #tpu.memory_space<vmem>> -> memref<128x128xf32, #tpu.memory_space<vmem>>
    %dma_start3A_26 = arith.constant 128 : i32
    %dma_start3A_27 = tpu.memref_slice %arg5[%dma_start3A_26] : memref<512xi32, #tpu.memory_space<vmem>> -> memref<128xi32, #tpu.memory_space<vmem>>
    %dma_start3A_28 = arith.constant 0 : i32
    %dma_start3A_29 = arith.constant 0 : i32
    %dma_start3A_30 = tpu.memref_slice %arg7[%dma_start3A_28, %dma_start3A_29] : memref<100x128xf32, #tpu.memory_space<vmem_shared>> -> memref<100x128xf32, #tpu.memory_space<vmem_shared>>
    tpu.enqueue_indirect_dma source(%dma_start3A_30 : memref<100x128xf32, #tpu.memory_space<vmem_shared>>) target(%dma_start3A_25 : memref<128x128xf32, #tpu.memory_space<vmem>>) offsets(%dma_start3A_27 : memref<128xi32, #tpu.memory_space<vmem>>) semaphore(%arg9 : memref<!tpu.dma_semaphore, #tpu.memory_space<semaphore_mem>>)
    %dma_start3A_31 = arith.constant 256 : i32
    %dma_start3A_32 = arith.constant 0 : i32
    %dma_start3A_33 = tpu.memref_slice %arg6[%dma_start3A_31, %dma_start3A_32] : memref<512x128xf32, #tpu.memory_space<vmem>> -> memref<128x128xf32, #tpu.memory_space<vmem>>
    %dma_start3A_34 = arith.constant 256 : i32
    %dma_start3A_35 = tpu.memref_slice %arg5[%dma_start3A_34] : memref<512xi32, #tpu.memory_space<vmem>> -> memref<128xi32, #tpu.memory_space<vmem>>
    %dma_start3A_36 = arith.constant 0 : i32
    %dma_start3A_37 = arith.constant 0 : i32
    %dma_start3A_38 = tpu.memref_slice %arg7[%dma_start3A_36, %dma_start3A_37] : memref<100x128xf32, #tpu.memory_space<vmem_shared>> -> memref<100x128xf32, #tpu.memory_space<vmem_shared>>
    tpu.enqueue_indirect_dma source(%dma_start3A_38 : memref<100x128xf32, #tpu.memory_space<vmem_shared>>) target(%dma_start3A_33 : memref<128x128xf32, #tpu.memory_space<vmem>>) offsets(%dma_start3A_35 : memref<128xi32, #tpu.memory_space<vmem>>) semaphore(%arg10 : memref<!tpu.dma_semaphore, #tpu.memory_space<semaphore_mem>>)
    %dma_start3A_39 = arith.constant 384 : i32
    %dma_start3A_40 = arith.constant 0 : i32
    %dma_start3A_41 = tpu.memref_slice %arg6[%dma_start3A_39, %dma_start3A_40] : memref<512x128xf32, #tpu.memory_space<vmem>> -> memref<128x128xf32, #tpu.memory_space<vmem>>
    %dma_start3A_42 = arith.constant 384 : i32
    %dma_start3A_43 = tpu.memref_slice %arg5[%dma_start3A_42] : memref<512xi32, #tpu.memory_space<vmem>> -> memref<128xi32, #tpu.memory_space<vmem>>
    %dma_start3A_44 = arith.constant 0 : i32
    %dma_start3A_45 = arith.constant 0 : i32
    %dma_start3A_46 = tpu.memref_slice %arg7[%dma_start3A_44, %dma_start3A_45] : memref<100x128xf32, #tpu.memory_space<vmem_shared>> -> memref<100x128xf32, #tpu.memory_space<vmem_shared>>
    tpu.enqueue_indirect_dma source(%dma_start3A_46 : memref<100x128xf32, #tpu.memory_space<vmem_shared>>) target(%dma_start3A_41 : memref<128x128xf32, #tpu.memory_space<vmem>>) offsets(%dma_start3A_43 : memref<128xi32, #tpu.memory_space<vmem>>) semaphore(%arg11 : memref<!tpu.dma_semaphore, #tpu.memory_space<semaphore_mem>>)
    %dma_wait3A_47 = arith.constant 0 : i32
    %dma_wait3A_48 = arith.constant 0 : i32
    %dma_wait3A_49 = tpu.memref_slice %arg6[%dma_wait3A_47, %dma_wait3A_48] : memref<512x128xf32, #tpu.memory_space<vmem>> -> memref<128x128xf32, #tpu.memory_space<vmem>>
    %dma_wait3A_50 = arith.constant 0 : i32
    %dma_wait3A_51 = tpu.memref_slice %arg5[%dma_wait3A_50] : memref<512xi32, #tpu.memory_space<vmem>> -> memref<128xi32, #tpu.memory_space<vmem>>
    %dma_wait3A_52 = arith.constant 0 : i32
    %dma_wait3A_53 = arith.constant 0 : i32
    %dma_wait3A_54 = tpu.memref_slice %arg7[%dma_wait3A_52, %dma_wait3A_53] : memref<100x128xf32, #tpu.memory_space<vmem_shared>> -> memref<100x128xf32, #tpu.memory_space<vmem_shared>>
    tpu.wait_indirect_dma semaphore(%arg8 : memref<!tpu.dma_semaphore, #tpu.memory_space<semaphore_mem>>) src(%dma_wait3A_54 : memref<100x128xf32, #tpu.memory_space<vmem_shared>>) dst(%dma_wait3A_49 : memref<128x128xf32, #tpu.memory_space<vmem>>)
    %add3A_55 = arith.constant 0 : i32
    %add3A_56 = arith.addi %mul3A_2, %add3A_55 : i32
    %dma_start3A_57 = arith.constant 0 : i32
    %dma_start3A_58 = arith.constant 0 : i32
    %dma_start3A_59 = tpu.memref_slice %arg6[%dma_start3A_57, %dma_start3A_58] : memref<512x128xf32, #tpu.memory_space<vmem>> -> memref<128x128xf32, #tpu.memory_space<vmem>>
    %dma_start3A_60 = arith.constant 0 : i32
    %dma_start3A_61 = tpu.memref_slice %arg4[%add3A_56, %dma_start3A_60] : memref<16384x128xf32, #tpu.memory_space<hbm>> -> memref<128x128xf32, #tpu.memory_space<hbm>>
    %dma_start3A_62 = arith.constant 0 : i32
    %dma_start3A_63 = tpu.memref_slice %arg4[%add3A_56, %dma_start3A_62] : memref<16384x128xf32, #tpu.memory_space<hbm>> -> memref<128x128xf32, #tpu.memory_space<hbm>>
    %dma_start3A_64 = arith.constant 0 : i32
    %dma_start3A_65 = arith.constant 0 : i32
    %dma_start3A_66 = tpu.memref_slice %arg6[%dma_start3A_64, %dma_start3A_65] : memref<512x128xf32, #tpu.memory_space<vmem>> -> memref<128x128xf32, #tpu.memory_space<vmem>>
    tpu.enqueue_dma source(%dma_start3A_66 : memref<128x128xf32, #tpu.memory_space<vmem>>) target(%dma_start3A_63 : memref<128x128xf32, #tpu.memory_space<hbm>>) target_semaphore(%arg12 : memref<!tpu.dma_semaphore, #tpu.memory_space<semaphore_mem>>)
    %dma_wait3A_67 = arith.constant 128 : i32
    %dma_wait3A_68 = arith.constant 0 : i32
    %dma_wait3A_69 = tpu.memref_slice %arg6[%dma_wait3A_67, %dma_wait3A_68] : memref<512x128xf32, #tpu.memory_space<vmem>> -> memref<128x128xf32, #tpu.memory_space<vmem>>
    %dma_wait3A_70 = arith.constant 128 : i32
    %dma_wait3A_71 = tpu.memref_slice %arg5[%dma_wait3A_70] : memref<512xi32, #tpu.memory_space<vmem>> -> memref<128xi32, #tpu.memory_space<vmem>>
    %dma_wait3A_72 = arith.constant 0 : i32
    %dma_wait3A_73 = arith.constant 0 : i32
    %dma_wait3A_74 = tpu.memref_slice %arg7[%dma_wait3A_72, %dma_wait3A_73] : memref<100x128xf32, #tpu.memory_space<vmem_shared>> -> memref<100x128xf32, #tpu.memory_space<vmem_shared>>
    tpu.wait_indirect_dma semaphore(%arg9 : memref<!tpu.dma_semaphore, #tpu.memory_space<semaphore_mem>>) src(%dma_wait3A_74 : memref<100x128xf32, #tpu.memory_space<vmem_shared>>) dst(%dma_wait3A_69 : memref<128x128xf32, #tpu.memory_space<vmem>>)
    %add3A_75 = arith.constant 128 : i32
    %add3A_76 = arith.addi %mul3A_2, %add3A_75 : i32
    %dma_start3A_77 = arith.constant 128 : i32
    %dma_start3A_78 = arith.constant 0 : i32
    %dma_start3A_79 = tpu.memref_slice %arg6[%dma_start3A_77, %dma_start3A_78] : memref<512x128xf32, #tpu.memory_space<vmem>> -> memref<128x128xf32, #tpu.memory_space<vmem>>
    %dma_start3A_80 = arith.constant 0 : i32
    %dma_start3A_81 = tpu.memref_slice %arg4[%add3A_76, %dma_start3A_80] : memref<16384x128xf32, #tpu.memory_space<hbm>> -> memref<128x128xf32, #tpu.memory_space<hbm>>
    %dma_start3A_82 = arith.constant 0 : i32
    %dma_start3A_83 = tpu.memref_slice %arg4[%add3A_76, %dma_start3A_82] : memref<16384x128xf32, #tpu.memory_space<hbm>> -> memref<128x128xf32, #tpu.memory_space<hbm>>
    %dma_start3A_84 = arith.constant 128 : i32
    %dma_start3A_85 = arith.constant 0 : i32
    %dma_start3A_86 = tpu.memref_slice %arg6[%dma_start3A_84, %dma_start3A_85] : memref<512x128xf32, #tpu.memory_space<vmem>> -> memref<128x128xf32, #tpu.memory_space<vmem>>
    tpu.enqueue_dma source(%dma_start3A_86 : memref<128x128xf32, #tpu.memory_space<vmem>>) target(%dma_start3A_83 : memref<128x128xf32, #tpu.memory_space<hbm>>) target_semaphore(%arg12 : memref<!tpu.dma_semaphore, #tpu.memory_space<semaphore_mem>>)
    %dma_wait3A_87 = arith.constant 256 : i32
    %dma_wait3A_88 = arith.constant 0 : i32
    %dma_wait3A_89 = tpu.memref_slice %arg6[%dma_wait3A_87, %dma_wait3A_88] : memref<512x128xf32, #tpu.memory_space<vmem>> -> memref<128x128xf32, #tpu.memory_space<vmem>>
    %dma_wait3A_90 = arith.constant 256 : i32
    %dma_wait3A_91 = tpu.memref_slice %arg5[%dma_wait3A_90] : memref<512xi32, #tpu.memory_space<vmem>> -> memref<128xi32, #tpu.memory_space<vmem>>
    %dma_wait3A_92 = arith.constant 0 : i32
    %dma_wait3A_93 = arith.constant 0 : i32
    %dma_wait3A_94 = tpu.memref_slice %arg7[%dma_wait3A_92, %dma_wait3A_93] : memref<100x128xf32, #tpu.memory_space<vmem_shared>> -> memref<100x128xf32, #tpu.memory_space<vmem_shared>>
    tpu.wait_indirect_dma semaphore(%arg10 : memref<!tpu.dma_semaphore, #tpu.memory_space<semaphore_mem>>) src(%dma_wait3A_94 : memref<100x128xf32, #tpu.memory_space<vmem_shared>>) dst(%dma_wait3A_89 : memref<128x128xf32, #tpu.memory_space<vmem>>)
    %add3A_95 = arith.constant 256 : i32
    %add3A_96 = arith.addi %mul3A_2, %add3A_95 : i32
    %dma_start3A_97 = arith.constant 256 : i32
    %dma_start3A_98 = arith.constant 0 : i32
    %dma_start3A_99 = tpu.memref_slice %arg6[%dma_start3A_97, %dma_start3A_98] : memref<512x128xf32, #tpu.memory_space<vmem>> -> memref<128x128xf32, #tpu.memory_space<vmem>>
    %dma_start3A_100 = arith.constant 0 : i32
    %dma_start3A_101 = tpu.memref_slice %arg4[%add3A_96, %dma_start3A_100] : memref<16384x128xf32, #tpu.memory_space<hbm>> -> memref<128x128xf32, #tpu.memory_space<hbm>>
    %dma_start3A_102 = arith.constant 0 : i32
    %dma_start3A_103 = tpu.memref_slice %arg4[%add3A_96, %dma_start3A_102] : memref<16384x128xf32, #tpu.memory_space<hbm>> -> memref<128x128xf32, #tpu.memory_space<hbm>>
    %dma_start3A_104 = arith.constant 256 : i32
    %dma_start3A_105 = arith.constant 0 : i32
    %dma_start3A_106 = tpu.memref_slice %arg6[%dma_start3A_104, %dma_start3A_105] : memref<512x128xf32, #tpu.memory_space<vmem>> -> memref<128x128xf32, #tpu.memory_space<vmem>>
    tpu.enqueue_dma source(%dma_start3A_106 : memref<128x128xf32, #tpu.memory_space<vmem>>) target(%dma_start3A_103 : memref<128x128xf32, #tpu.memory_space<hbm>>) target_semaphore(%arg12 : memref<!tpu.dma_semaphore, #tpu.memory_space<semaphore_mem>>)
    %dma_wait3A_107 = arith.constant 384 : i32
    %dma_wait3A_108 = arith.constant 0 : i32
    %dma_wait3A_109 = tpu.memref_slice %arg6[%dma_wait3A_107, %dma_wait3A_108] : memref<512x128xf32, #tpu.memory_space<vmem>> -> memref<128x128xf32, #tpu.memory_space<vmem>>
    %dma_wait3A_110 = arith.constant 384 : i32
    %dma_wait3A_111 = tpu.memref_slice %arg5[%dma_wait3A_110] : memref<512xi32, #tpu.memory_space<vmem>> -> memref<128xi32, #tpu.memory_space<vmem>>
    %dma_wait3A_112 = arith.constant 0 : i32
    %dma_wait3A_113 = arith.constant 0 : i32
    %dma_wait3A_114 = tpu.memref_slice %arg7[%dma_wait3A_112, %dma_wait3A_113] : memref<100x128xf32, #tpu.memory_space<vmem_shared>> -> memref<100x128xf32, #tpu.memory_space<vmem_shared>>
    tpu.wait_indirect_dma semaphore(%arg11 : memref<!tpu.dma_semaphore, #tpu.memory_space<semaphore_mem>>) src(%dma_wait3A_114 : memref<100x128xf32, #tpu.memory_space<vmem_shared>>) dst(%dma_wait3A_109 : memref<128x128xf32, #tpu.memory_space<vmem>>)
    %add3A_115 = arith.constant 384 : i32
    %add3A_116 = arith.addi %mul3A_2, %add3A_115 : i32
    %dma_start3A_117 = arith.constant 384 : i32
    %dma_start3A_118 = arith.constant 0 : i32
    %dma_start3A_119 = tpu.memref_slice %arg6[%dma_start3A_117, %dma_start3A_118] : memref<512x128xf32, #tpu.memory_space<vmem>> -> memref<128x128xf32, #tpu.memory_space<vmem>>
    %dma_start3A_120 = arith.constant 0 : i32
    %dma_start3A_121 = tpu.memref_slice %arg4[%add3A_116, %dma_start3A_120] : memref<16384x128xf32, #tpu.memory_space<hbm>> -> memref<128x128xf32, #tpu.memory_space<hbm>>
    %dma_start3A_122 = arith.constant 0 : i32
    %dma_start3A_123 = tpu.memref_slice %arg4[%add3A_116, %dma_start3A_122] : memref<16384x128xf32, #tpu.memory_space<hbm>> -> memref<128x128xf32, #tpu.memory_space<hbm>>
    %dma_start3A_124 = arith.constant 384 : i32
    %dma_start3A_125 = arith.constant 0 : i32
    %dma_start3A_126 = tpu.memref_slice %arg6[%dma_start3A_124, %dma_start3A_125] : memref<512x128xf32, #tpu.memory_space<vmem>> -> memref<128x128xf32, #tpu.memory_space<vmem>>
    tpu.enqueue_dma source(%dma_start3A_126 : memref<128x128xf32, #tpu.memory_space<vmem>>) target(%dma_start3A_123 : memref<128x128xf32, #tpu.memory_space<hbm>>) target_semaphore(%arg12 : memref<!tpu.dma_semaphore, #tpu.memory_space<semaphore_mem>>)
    %dma_wait3A_127 = arith.constant 0 : i32
    %dma_wait3A_128 = arith.constant 0 : i32
    %dma_wait3A_129 = tpu.memref_slice %arg6[%dma_wait3A_127, %dma_wait3A_128] : memref<512x128xf32, #tpu.memory_space<vmem>> -> memref<128x128xf32, #tpu.memory_space<vmem>>
    %dma_wait3A_130 = arith.constant 0 : i32
    %dma_wait3A_131 = tpu.memref_slice %arg4[%add3A_56, %dma_wait3A_130] : memref<16384x128xf32, #tpu.memory_space<hbm>> -> memref<128x128xf32, #tpu.memory_space<hbm>>
    %dma_wait3A_132 = arith.constant 0 : i32
    %dma_wait3A_133 = tpu.memref_slice %arg4[%add3A_56, %dma_wait3A_132] : memref<16384x128xf32, #tpu.memory_space<hbm>> -> memref<128x128xf32, #tpu.memory_space<hbm>>
    %dma_wait3A_134 = arith.constant 0 : i32
    %dma_wait3A_135 = arith.constant 0 : i32
    %dma_wait3A_136 = tpu.memref_slice %arg6[%dma_wait3A_134, %dma_wait3A_135] : memref<512x128xf32, #tpu.memory_space<vmem>> -> memref<128x128xf32, #tpu.memory_space<vmem>>
    tpu.wait_dma2 semaphore(%arg12 : memref<!tpu.dma_semaphore, #tpu.memory_space<semaphore_mem>>) src(%dma_wait3A_136 : memref<128x128xf32, #tpu.memory_space<vmem>>) dst(%dma_wait3A_133 : memref<128x128xf32, #tpu.memory_space<hbm>>)
    %dma_wait3A_137 = arith.constant 128 : i32
    %dma_wait3A_138 = arith.constant 0 : i32
    %dma_wait3A_139 = tpu.memref_slice %arg6[%dma_wait3A_137, %dma_wait3A_138] : memref<512x128xf32, #tpu.memory_space<vmem>> -> memref<128x128xf32, #tpu.memory_space<vmem>>
    %dma_wait3A_140 = arith.constant 0 : i32
    %dma_wait3A_141 = tpu.memref_slice %arg4[%add3A_76, %dma_wait3A_140] : memref<16384x128xf32, #tpu.memory_space<hbm>> -> memref<128x128xf32, #tpu.memory_space<hbm>>
    %dma_wait3A_142 = arith.constant 0 : i32
    %dma_wait3A_143 = tpu.memref_slice %arg4[%add3A_76, %dma_wait3A_142] : memref<16384x128xf32, #tpu.memory_space<hbm>> -> memref<128x128xf32, #tpu.memory_space<hbm>>
    %dma_wait3A_144 = arith.constant 128 : i32
    %dma_wait3A_145 = arith.constant 0 : i32
    %dma_wait3A_146 = tpu.memref_slice %arg6[%dma_wait3A_144, %dma_wait3A_145] : memref<512x128xf32, #tpu.memory_space<vmem>> -> memref<128x128xf32, #tpu.memory_space<vmem>>
    tpu.wait_dma2 semaphore(%arg12 : memref<!tpu.dma_semaphore, #tpu.memory_space<semaphore_mem>>) src(%dma_wait3A_146 : memref<128x128xf32, #tpu.memory_space<vmem>>) dst(%dma_wait3A_143 : memref<128x128xf32, #tpu.memory_space<hbm>>)
    %dma_wait3A_147 = arith.constant 256 : i32
    %dma_wait3A_148 = arith.constant 0 : i32
    %dma_wait3A_149 = tpu.memref_slice %arg6[%dma_wait3A_147, %dma_wait3A_148] : memref<512x128xf32, #tpu.memory_space<vmem>> -> memref<128x128xf32, #tpu.memory_space<vmem>>
    %dma_wait3A_150 = arith.constant 0 : i32
    %dma_wait3A_151 = tpu.memref_slice %arg4[%add3A_96, %dma_wait3A_150] : memref<16384x128xf32, #tpu.memory_space<hbm>> -> memref<128x128xf32, #tpu.memory_space<hbm>>
    %dma_wait3A_152 = arith.constant 0 : i32
    %dma_wait3A_153 = tpu.memref_slice %arg4[%add3A_96, %dma_wait3A_152] : memref<16384x128xf32, #tpu.memory_space<hbm>> -> memref<128x128xf32, #tpu.memory_space<hbm>>
    %dma_wait3A_154 = arith.constant 256 : i32
    %dma_wait3A_155 = arith.constant 0 : i32
    %dma_wait3A_156 = tpu.memref_slice %arg6[%dma_wait3A_154, %dma_wait3A_155] : memref<512x128xf32, #tpu.memory_space<vmem>> -> memref<128x128xf32, #tpu.memory_space<vmem>>
    tpu.wait_dma2 semaphore(%arg12 : memref<!tpu.dma_semaphore, #tpu.memory_space<semaphore_mem>>) src(%dma_wait3A_156 : memref<128x128xf32, #tpu.memory_space<vmem>>) dst(%dma_wait3A_153 : memref<128x128xf32, #tpu.memory_space<hbm>>)
    %dma_wait3A_157 = arith.constant 384 : i32
    %dma_wait3A_158 = arith.constant 0 : i32
    %dma_wait3A_159 = tpu.memref_slice %arg6[%dma_wait3A_157, %dma_wait3A_158] : memref<512x128xf32, #tpu.memory_space<vmem>> -> memref<128x128xf32, #tpu.memory_space<vmem>>
    %dma_wait3A_160 = arith.constant 0 : i32
    %dma_wait3A_161 = tpu.memref_slice %arg4[%add3A_116, %dma_wait3A_160] : memref<16384x128xf32, #tpu.memory_space<hbm>> -> memref<128x128xf32, #tpu.memory_space<hbm>>
    %dma_wait3A_162 = arith.constant 0 : i32
    %dma_wait3A_163 = tpu.memref_slice %arg4[%add3A_116, %dma_wait3A_162] : memref<16384x128xf32, #tpu.memory_space<hbm>> -> memref<128x128xf32, #tpu.memory_space<hbm>>
    %dma_wait3A_164 = arith.constant 384 : i32
    %dma_wait3A_165 = arith.constant 0 : i32
    %dma_wait3A_166 = tpu.memref_slice %arg6[%dma_wait3A_164, %dma_wait3A_165] : memref<512x128xf32, #tpu.memory_space<vmem>> -> memref<128x128xf32, #tpu.memory_space<vmem>>
    tpu.wait_dma2 semaphore(%arg12 : memref<!tpu.dma_semaphore, #tpu.memory_space<semaphore_mem>>) src(%dma_wait3A_166 : memref<128x128xf32, #tpu.memory_space<vmem>>) dst(%dma_wait3A_163 : memref<128x128xf32, #tpu.memory_space<hbm>>)
    return
  }
}

</mosaic_0001>

<sc_bundles>
// kernel: kernel.3.cloned.1.call-start
scs
__scs_entry_jumppad:
0x0: {  	(pc) =	sbr.rel $0x88, $3  }
0x1: {  	(tag) =	ssettag $0x0;
	lr =	simm.s32 $0x1  }
0x2: {  	[smem:$0x3F9F] =	sst lr;
	_ =	strace $0xD0000000  }
0x3: {  	_ = 	snop  }
0x4: {  	_ = 	snop  }
0x5: {  	_ = 	snop  }
0x6: {  	_ = 	snop  }
0x7: {  	_ = 	snop  }
__scs_overlays_trampoline_lowered:
0x8: {  	[smem:$0x3FAE] =	sst s0  }
0x9: {  	[smem:$0x3FAF] =	sst s1  }
0xa: {  	[smem:$0x3FB0] =	sst s2  }
0xb: {  	[smem:$0x3FB1] =	sst s3  }
0xc: {  	[smem:$0x3FB2] =	sst s4  }
0xd: {  	[smem:$0x3FB3] =	sst s5  }
0xe: {  	[smem:$0x3FB4] =	sst s6  }
0xf: {  	[smem:$0x3FB5] =	sst s7  }
0x10: {  	[smem:$0x3FB6] =	sst s8  }
0x11: {  	[smem:$0x3FB7] =	sst s9;
	s0 =	simm.s32 @!p0 $0x0  }
0x12: {  	s1 =	sld [smem:$0x3F9D];
	s0 =	simm.s32 @p0 $0x1  }
0x13: {  	[smem:$0x3FB8] =	sst s0;
	s0 =	simm.s32 @!p1 $0x0  }
0x14: {  	s2 =	sld [smem:$0x3F9C];
	s0 =	simm.s32 @p1 $0x1  }
0x15: {  	[smem:$0x3FB9] =	sst s0;
	s0 =	simm.s32 @!p2 $0x0  }
0x16: {  	s3 =	sld [smem:$0x3FDB];
	s0 =	simm.s32 @p2 $0x1  }
0x17: {  	s4 =	simm.s32 $0x1BF5;
	[smem:$0x3FBB] =	sst s0  }
0x18: {  	s0 =	sld [smem:$0x3F9E];
	_ =	swait.ge [sflag:s4], $0x0  }
0x19: {  	s7 =	sld [smem:$0x3F9F]  }
0x1a: {  	s8 =	sadd.s32 $0xFFFFE003, lr  }
0x1b: {  	s9 =	sadd.s32 $0xFFFFFEF7, lr;
	s5 =	simm.s32 $0xFFFFFFFF;
	p2 =	slt.u32 s8, $0xFFFFF086  }
0x1c: {  	p1 =	slt.u32 s9, $0xF7A;
	s5 =	simm.s32 @!p2 $0x0  }
0x1d: {  	s5 =	simm.s32 @p1 $0x1;
	p0 =	seq.s32 s7, s2  }
0x1e: {  	s7 =	smul.u32 @!p0 $0xF7A, s2;
	p2 =	seq.s32 @!p0 s5, $0x0  }
0x1f: {  	s9 =	smul.u32 $0xF7A, s1;
	s8 =	simm.s32 @!p0 $0x1BF5;
	p2 =	por !p2, p0  }
0x20: {  	[sflag:s8] =	ssyncset.s32 @!p0 $0xFFFFF086;
	s6 =	sadd.s32 @!p0 s3, s7;
	s7 =	simm.s32 @!p0 $0x108  }
0x21: {  	s3 =	sadd.s32 s3, s9;
	s6 =	sadd.s32 @!p0 $0x88, s6;
	s7 =	simm.s32 @p2 $0x1082  }
0x22: {  	[simem:s7], [sflag:s8] =	dma.local @!p0 [hbm:s6], $0xF7A  }
0x23: {  	s9 =	sor.u32 $0xD0000000, s2;
	s6 =	simm.s32 $0x108;
	_ =	swait.ge @!p0 [sflag:s8], $0x0  }
0x24: {  	s3 =	sadd.s32 $0x88, s3;
	s6 =	simm.s32 @!p1 $0x1082;
	[sflag:s4] =	ssyncset.s32 $0xFFFFF086  }
0x25: {  	[simem:s6], [sflag:s4] =	dma.local [hbm:s3], $0xF7A  }
0x26: {  	[smem:$0x3F9F] =	sst s1;
	(tag) =	ssettag s2;
	_ =	strace s9  }
0x27: {  	s1 =	sld [smem:$0x3FAF]  }
0x28: {  	s2 =	sld [smem:$0x3FB0]  }
0x29: {  	s4 =	sld [smem:$0x3FB2]  }
0x2a: {  	p0 =	seq.s32 s5, $0x0;
	s5 =	sld [smem:$0x3FB3]  }
0x2b: {  	s6 =	sld [smem:$0x3FB4]  }
0x2c: {  	s7 =	sld [smem:$0x3FB5]  }
0x2d: {  	s3 =	simm.s32 $0x108;
	s8 =	sld [smem:$0x3FB6]  }
0x2e: {  	s3 =	simm.s32 @!p0 $0x1082;
	s9 =	sld [smem:$0x3FB7]  }
0x2f: {  	lr =	sadd.s32 s0, s3;
	s0 =	sld [smem:$0x3FAE]  }
0x30: {  	s3 =	sld [smem:$0x3FB1]  }
0x31: {  	[smem:$0x3FBA] =	sst s10  }
0x32: {  	s10 =	sld [smem:$0x3FB8];
	_ =	sdelay $0x3  }
0x33: {  	p0 =	seq.s32 s10, $0x1;
	s10 =	sld [smem:$0x3FBA];
	_ =	sdelay $0x3  }
0x34: {  	[smem:$0x3FBA] =	sst s10  }
0x35: {  	s10 =	sld [smem:$0x3FB9];
	_ =	sdelay $0x3  }
0x36: {  	p1 =	seq.s32 s10, $0x1;
	s10 =	sld [smem:$0x3FBA];
	_ =	sdelay $0x3  }
0x37: {  	[smem:$0x3FBA] =	sst s10  }
0x38: {  	s10 =	sld [smem:$0x3FBB]  }
0x39: {  	_ = 	snop;
	(pc) =	sbr.ind lr, $3  }
0x3a: {  	_ = 	snop  }
0x3b: {  	_ = 	snop  }
0x3c: {  	p2 =	seq.s32 s10, $0x1;
	s10 =	sld [smem:$0x3FBA]  }
0x3d: {  	_ =	shalt  }
0x3e: {  	_ =	shalt  }
0x3f: {  	_ =	shalt  }
0x40: {  	_ =	shalt  }
0x41: {  	_ =	shalt  }
0x42: {  	_ =	shalt  }
0x43: {  	_ =	shalt  }
0x44: {  	_ =	shalt  }
0x45: {  	_ =	shalt  }
0x46: {  	_ =	shalt  }
0x47: {  	_ =	shalt  }
0x48: {  	_ =	shalt  }
0x49: {  	_ =	shalt  }
0x4a: {  	_ =	shalt  }
0x4b: {  	_ =	shalt  }
0x4c: {  	_ =	shalt  }
0x4d: {  	_ =	shalt  }
0x4e: {  	_ =	shalt  }
0x4f: {  	_ =	shalt  }
0x50: {  	_ =	shalt  }
0x51: {  	_ =	shalt  }
0x52: {  	_ =	shalt  }
0x53: {  	_ =	shalt  }
0x54: {  	_ =	shalt  }
0x55: {  	_ =	shalt  }
0x56: {  	_ =	shalt  }
0x57: {  	_ =	shalt  }
0x58: {  	_ =	shalt  }
0x59: {  	_ =	shalt  }
0x5a: {  	_ =	shalt  }
0x5b: {  	_ =	shalt  }
0x5c: {  	_ =	shalt  }
0x5d: {  	_ =	shalt  }
0x5e: {  	_ =	shalt  }
0x5f: {  	_ =	shalt  }
0x60: {  	_ =	shalt  }
0x61: {  	_ =	shalt  }
0x62: {  	_ =	shalt  }
0x63: {  	_ =	shalt  }
0x64: {  	_ =	shalt  }
0x65: {  	_ =	shalt  }
0x66: {  	_ =	shalt  }
0x67: {  	_ =	shalt  }
0x68: {  	_ =	shalt  }
0x69: {  	_ =	shalt  }
0x6a: {  	_ =	shalt  }
0x6b: {  	_ =	shalt  }
0x6c: {  	_ =	shalt  }
0x6d: {  	_ =	shalt  }
0x6e: {  	_ =	shalt  }
0x6f: {  	_ =	shalt  }
0x70: {  	_ =	shalt  }
0x71: {  	_ =	shalt  }
0x72: {  	_ =	shalt  }
0x73: {  	_ =	shalt  }
0x74: {  	_ =	shalt  }
0x75: {  	_ =	shalt  }
0x76: {  	_ =	shalt  }
0x77: {  	_ =	shalt  }
0x78: {  	_ =	shalt  }
0x79: {  	_ =	shalt  }
0x7a: {  	_ =	shalt  }
0x7b: {  	_ =	shalt  }
0x7c: {  	_ =	shalt  }
0x7d: {  	_ =	shalt  }
0x7e: {  	_ =	shalt  }
0x7f: {  	_ =	shalt  }
0x80: {  	_ =	shalt  }
0x81: {  	_ =	shalt  }
0x82: {  	_ =	shalt  }
0x83: {  	_ =	shalt  }
0x84: {  	_ =	shalt  }
0x85: {  	_ =	shalt  }
0x86: {  	_ =	shalt  }
0x87: {  	_ =	shalt  }
.Lfunc_end0:
.L_simem_size_0:
called_computation_lowered:
.L_overlay_start_0:
0x88: {  	s2 =	sld [smem:$0x3FD9]  }
0x89: {  	s3 =	sld [smem:$0x3FFE];
	_ =	sdelay $0x1  }
0x8a: {  	s1 =	srdreg.scid  }
0x8b: {  	s0 =	sand.u32 $0x1, s1  }
0x8c: {  	s17 =	sshll.u32 s0, $0xA;
	s2 =	sadd.s32 s3, s2  }
0x8d: {  	s2 =	sadd.s32 s2, s17  }
0x8e: {  	[smem:$0x3FC6] =	sst s2  }
0x8f: {  	_ = 	snop  }
0x90: {  	s2 =	sld [smem:$0x3FC8]  }
0x91: {  	s18 =	sld [smem:$0x3FD0];
	(tm) =	ssettm $0x1  }
0x92: {  	s4 =	sld [smem:$0x3FFB];
	_ =	sdelay $0x3  }
0x93: {  	_ =	strace s4  }
0x94: {  	s4 =	sld [smem:$0x3FFC];
	_ =	sdelay $0x3  }
0x95: {  	_ =	strace s4  }
0x96: {  	s4 =	sld [smem:$0x3FFD];
	_ =	sdelay $0x3  }
0x97: {  	_ =	strace s4  }
0x98: {  	_ =	strace $0x8FFFFFFF  }
0x99: {  	s19 =	sld [smem:$0x3FDB];
	_ =	sdelay $0x1  }
0x9a: {  	s5 =	simm.s32 $_scs_section_size  }
0x9b: {  	s6 =	simm.s32 $_size__tile_overlayer_lowered;
	s7 =	simm.s32 $_tile_overlayer_lowered  }
0x9c: {  	s22 =	simm.s32 $0x1BFF;
	s21 =	sshll.u32 s7, $0x1;
	s4 =	sadd.s32 s5, s19  }
0x9d: {  	s8 =	simm.s32 $0x0;
	s20 =	sshll.u32 s6, $0x1;
	s6 =	sadd.s32 s21, s4  }
0x9e: {  	[timem:s8], [sflag:s22] =	dma.local [hbm:s6], s20  }
0x9f: {  	_ =	swait.ge [sflag:s22], s20  }
0xa0: {  	s5 =	ssub.s32 $0x0, s20;
	[sflag:s22] =	ssyncset.done $0x0  }
0xa1: {  	[sflag:s22] =	ssyncadd.s32 s5;
	_ =	sdelay $0x1  }
0xa2: {  	s23 =	simm.s32 $0x1B8B  }
0xa3: {  	_ =	swait.ge [sflag:s23], $0x1  }
0xa4: {  	[sflag:s23] =	ssyncset.done $0x0  }
0xa5: {  	s25 =	simm.s32 $0x1B8E;
	s24 =	sld [smem:$0x3FFE];
	[sflag:s23] =	ssyncadd.s32 $0xFFFFFFFF  }
0xa6: {  	s26 =	simm.s32 $execute0_lowered;
	[smem:$0x3FD2] =	sst s25  }
0xa7: {  	s6 =	sshll.u32 s26, $0x1;
	_ =	strace $0x80000046;
	[dreg:$0x1] =	wrdreg $0xFFFFFFFF  }
0xa8: {  	s28 =	simm.s32 $_size_execute0_lowered;
	s4 =	sadd.s32 s4, s6;
	[dreg:$0x0] =	wrdreg $0x0  }
0xa9: {  	s6 =	sshll.u32 s28, $0x1;
	[dreg:$0x2] =	wrdreg s4  }
0xaa: {  	[dreg:$0x3] =	wrdreg s6  }
0xab: {  	[dreg:$0x4] =	wrdreg $0xC0  }
0xac: {  	_ =	task [dreg:s8], $0x5FFFF  }
0xad: {  	[dreg:$0x1] =	wrdreg $0xFFFFFFFF  }
0xae: {  	[dreg:$0x0] =	wrdreg $0x60  }
0xaf: {  	[dreg:$0x2] =	wrdreg s24  }
0xb0: {  	[dreg:$0x3] =	wrdreg s2  }
0xb1: {  	[dreg:$0x4] =	wrdreg s18  }
0xb2: {  	[dreg:$0x5] =	wrdreg $0x102000  }
0xb3: {  	[dreg:$0x6] =	wrdreg $0x9  }
0xb4: {  	_ =	task.clear_ibuf [dreg:s8], $0x7FFFF;
	_ =	strace $0x90000046  }
0xb5: {  	s29 =	simm.s32 $0x9;
	_ =	strace $0x80000048  }
0xb6: {  	_ =	swait.ge [sflag:s29], $0x1  }
0xb7: {  	[sflag:s29] =	ssyncadd.s32 $0xFFFFFFFF  }
0xb8: {  	_ =	strace $0x90000048  }
0xb9: {  	_ =	sfence  }
0xba: {  	s30 =	sld [smem:$0x0];
	_ =	sdelay $0x2  }
0xbb: {  	s31 =	sshll.u32 s1, $0xD;
	s1 =	sshrl.u32 s1, $0x2  }
0xbc: {  	s3 =	sand.u32 $0x4000, s31;
	s1 =	sadd.s32 s1, s30  }
0xbd: {  	s0 =	sor.u32 s3, s0;
	s1 =	sshll.u32 s1, $0x11  }
0xbe: {  	s0 =	sor.u32 s1, s0  }
0xbf: {  	s0 =	sadd.s32 $0x8F2B, s0  }
0xc0: {  	[sflag:s0] =	ssyncadd.remote.s32 $0x1  }
0xc1: {  	_ =	sfence.sel $0xFFFF  }
0xc2: {  	[dreg:$0x0] =	wrdreg $0xFFFFFFFF;
	(pc) =	sbr.abs _section_cstart, $3  }
0xc3: {  	[dreg:$0x1] =	wrdreg $0xFFFFFFFF  }
0xc4: {  	_ =	task.clear_ibuf [dreg:s8], $0x2FFFF;
	_ =	strace $0x9FFFFFFF  }
0xc5: {  	(tm) =	ssettm $0x7FFFFFFF  }
tec
execute0_lowered:
.L_overlay_start_1:
0x0: {  	(tag) =	ssettag $0x1  }
0x1: {  	s4 =	rddreg [dreg:$0x0]  }
0x2: {  	s0 =	rddreg [dreg:$0x1];
	s5 =	stileid.u32  }
0x3: {  	s1 =	srdreg.scid;
	s17 =	rddreg [dreg:$0x2]  }
0x4: {  	s2 =	rddreg [dreg:$0x3];
	s25 =	sand.u32 $0x1, s1;
	s30 =	sshll.u32 s5, $0x1  }
0x5: {  	s3 =	sshll.u32 s5, $0x7;
	s1 =	rddreg [dreg:$0x4];
	p0 =	sne.s32 s5, $0x0  }
0x6: {  	s5 =	simm.s32 $0x80;
	s18 =	sor.u32 s25, s30;
	s6 =	sand.u32 $0x600, s3  }
0x7: {  	s3 =	simm.s32 $0x0;
	s8 =	simm.s32 @!p0 $0x1C06;
	s7 =	sshll.u32 s18, $0x4  }
0x8: {  	s9 =	simm.s32 @!p0 $0x6;
	s4 =	sadd.s32 s6, s4;
	s31 =	sand.u32 $0x70, s7  }
0x9: {  	[smem:$0x7FF] =	sst s3;
	s6 =	simm.s32 $0x400;
	s4 =	sadd.s32 s31, s4  }
0xa: {  	_ =	strace $0x80000047;
	s7 =	sshrl.u32 @!p0 s2, $0x3;
	s4 =	sadd.s32 $0x400, s4  }
0xb: {  	[tilespmem:s3], [sflag:$0x1] =	stream.strided.gather [hbm4b:s4+s5], $0x200, s6, s5, $0x38;
	[tilespmem:$0x10520] =	vst v63  }
0xc: {  	[spmem:s7], [sflag:s8] =	dma.local @!p0 [hbm:s0], $0x640  }
0xd: {  	_ =	swait.ge @!p0 [sflag:s9], $0x640  }
0xe: {  	[sflag:s9] =	ssyncset.done @!p0 $0x0  }
0xf: {  	[sflag:s9] =	ssyncadd.s32 @!p0 $0xFFFFF9C0  }
0x10: {  	s10 =	simm.s32 $0x1;
	[bflag:$0x0] =	sbarrier.arrive $0xFFFF  }
0x11: {  	_ =	swait.ge [sflag:s10], $0x200  }
0x12: {  	[sflag:s10] =	ssyncset.done $0x0  }
0x13: {  	s11 =	simm.s32 $0x200;
	[sflag:s10] =	ssyncadd.s32 $0xFFFFFE00  }
0x14: {  	[tilespmem:s11], [sflag:$0x1] =	stream.indirect.gather [spmem:s2], $0x80, s3, s5, $0xb8;
	[tilespmem:$0x10520] =	vst v63  }
0x15: {  	s12 =	simm.s32 $0x4200  }
0x16: {  	[tilespmem:s12], [sflag:$0x2] =	stream.indirect.gather [spmem:s2], $0x80, s5, s5, $0xb8;
	[tilespmem:$0x10520] =	vst v63  }
0x17: {  	s13 =	simm.s32 $0x100;
	s14 =	simm.s32 $0x8200  }
0x18: {  	[tilespmem:s14], [sflag:$0x3] =	stream.indirect.gather [spmem:s2], $0x80, s13, s5, $0xb8;
	[tilespmem:$0x10520] =	vst v63  }
0x19: {  	s15 =	simm.s32 $0x180;
	s16 =	simm.s32 $0xC200  }
0x1a: {  	[tilespmem:s16], [sflag:$0x4] =	stream.indirect.gather [spmem:s2], $0x80, s15, s5, $0xb8;
	[tilespmem:$0x10520] =	vst v63  }
0x1b: {  	_ =	swait.ge [sflag:s10], $0x4000  }
0x1c: {  	s18 =	sshll.u32 s18, $0xD;
	[sflag:s10] =	ssyncset.done $0x0  }
0x1d: {  	s17 =	sadd.s32 s17, s18;
	s18 =	simm.s32 $0x2;
	[sflag:s10] =	ssyncadd.s32 $0xFFFFC000  }
0x1e: {  	[hbm4b:s17+s3] =	stream.linear.scatter [tilespmem:s11], [sflag:$0x5], $0x4000, $0x38;
	[tilespmem:$0x10520] =	vst v63  }
0x1f: {  	_ =	swait.ge [sflag:s18], $0x4000  }
0x20: {  	[sflag:s18] =	ssyncset.done $0x0  }
0x21: {  	s20 =	simm.s32 $0x3;
	s19 =	sadd.s32 $0x800, s17;
	[sflag:s18] =	ssyncadd.s32 $0xFFFFC000  }
0x22: {  	[hbm4b:s19+s3] =	stream.linear.scatter [tilespmem:s12], [sflag:$0x5], $0x4000, $0x38;
	[tilespmem:$0x10520] =	vst v63  }
0x23: {  	_ =	swait.ge [sflag:s20], $0x4000  }
0x24: {  	[sflag:s20] =	ssyncset.done $0x0  }
0x25: {  	s22 =	simm.s32 $0x4;
	s21 =	sadd.s32 $0x1000, s17;
	[sflag:s20] =	ssyncadd.s32 $0xFFFFC000  }
0x26: {  	[hbm4b:s21+s3] =	stream.linear.scatter [tilespmem:s14], [sflag:$0x5], $0x4000, $0x38;
	[tilespmem:$0x10520] =	vst v63  }
0x27: {  	_ =	swait.ge [sflag:s22], $0x4000  }
0x28: {  	[sflag:s22] =	ssyncset.done $0x0  }
0x29: {  	s23 =	simm.s32 $0x5;
	s24 =	sadd.s32 $0x1800, s17;
	[sflag:s22] =	ssyncadd.s32 $0xFFFFC000  }
0x2a: {  	[hbm4b:s24+s3] =	stream.linear.scatter [tilespmem:s16], [sflag:$0x5], $0x4000, $0x38;
	[tilespmem:$0x10520] =	vst v63  }
0x2b: {  	s25 =	ssub.s32 $0x2, s25;
	_ =	swait.ge [sflag:s23], $0x4000  }
0x2c: {  	s26 =	sshrl.u32 s25, $0x1;
	[sflag:s23] =	ssyncset.done $0x0  }
0x2d: {  	s25 =	ssub.s32 s25, s26;
	[sflag:s23] =	ssyncadd.s32 $0xFFFFC000  }
0x2e: {  	s25 =	smax.u32 s25, $0x1;
	_ =	swait.ge [sflag:s23], $0x4000  }
0x2f: {  	s25 =	sadd.s32 $0xFFFFFFFF, s25;
	[sflag:s23] =	ssyncset.done $0x0  }
0x30: {  	p1 =	sne.s32 s25, $0x0;
	[sflag:s23] =	ssyncadd.s32 $0xFFFFC000  }
.Ltmp0:
0x31: {  	_ =	swait.ge [sflag:s23], $0x4000;
	(pc) =	sbr.rel @!p1 .LBB2_2-.Ltmp0, $4  }
0x32: {  	[sflag:s23] =	ssyncset.done $0x0  }
0x33: {  	[sflag:s23] =	ssyncadd.s32 $0xFFFFC000  }
0x34: {  	_ =	swait.ge [sflag:s23], $0x4000  }
0x35: {  	[sflag:s23] =	ssyncset.done $0x0  }
.LBB2_1:
0x36: {  	[sflag:s23] =	ssyncadd.s32 $0xFFFFC000  }
0x37: {  	[tilespmem:s3], [sflag:$0x1] =	stream.strided.gather [hbm4b:s4+s5], $0x200, s6, s5, $0x38;
	[tilespmem:$0x10520] =	vst v63  }
0x38: {  	[spmem:s7], [sflag:s8] =	dma.local @!p0 [hbm:s0], $0x640  }
0x39: {  	s25 =	sadd.s32 $0xFFFFFFFF, s25;
	_ =	swait.ge @!p0 [sflag:s9], $0x640  }
0x3a: {  	p1 =	sne.s32 s25, $0x0;
	[sflag:s9] =	ssyncset.done @!p0 $0x0  }
0x3b: {  	[sflag:s9] =	ssyncadd.s32 @!p0 $0xFFFFF9C0  }
0x3c: {  	[bflag:$0x0] =	sbarrier.arrive $0xFFFF  }
0x3d: {  	_ =	swait.ge [sflag:s10], $0x200  }
0x3e: {  	[sflag:s10] =	ssyncset.done $0x0  }
0x3f: {  	[sflag:s10] =	ssyncadd.s32 $0xFFFFFE00  }
0x40: {  	[tilespmem:s11], [sflag:$0x1] =	stream.indirect.gather [spmem:s2], $0x80, s3, s5, $0xb8;
	[tilespmem:$0x10520] =	vst v63  }
0x41: {  	_ = 	snop  }
0x42: {  	[tilespmem:s12], [sflag:$0x2] =	stream.indirect.gather [spmem:s2], $0x80, s5, s5, $0xb8;
	[tilespmem:$0x10520] =	vst v63  }
0x43: {  	_ = 	snop  }
0x44: {  	[tilespmem:s14], [sflag:$0x3] =	stream.indirect.gather [spmem:s2], $0x80, s13, s5, $0xb8;
	[tilespmem:$0x10520] =	vst v63  }
0x45: {  	_ = 	snop  }
0x46: {  	[tilespmem:s16], [sflag:$0x4] =	stream.indirect.gather [spmem:s2], $0x80, s15, s5, $0xb8;
	[tilespmem:$0x10520] =	vst v63  }
0x47: {  	_ =	swait.ge [sflag:s10], $0x4000  }
0x48: {  	[sflag:s10] =	ssyncset.done $0x0  }
0x49: {  	[sflag:s10] =	ssyncadd.s32 $0xFFFFC000  }
0x4a: {  	[hbm4b:s17+s3] =	stream.linear.scatter [tilespmem:s11], [sflag:$0x5], $0x4000, $0x38;
	[tilespmem:$0x10520] =	vst v63  }
0x4b: {  	_ =	swait.ge [sflag:s18], $0x4000  }
0x4c: {  	[sflag:s18] =	ssyncset.done $0x0  }
0x4d: {  	[sflag:s18] =	ssyncadd.s32 $0xFFFFC000  }
0x4e: {  	[hbm4b:s19+s3] =	stream.linear.scatter [tilespmem:s12], [sflag:$0x5], $0x4000, $0x38;
	[tilespmem:$0x10520] =	vst v63  }
0x4f: {  	_ =	swait.ge [sflag:s20], $0x4000  }
0x50: {  	[sflag:s20] =	ssyncset.done $0x0  }
0x51: {  	[sflag:s20] =	ssyncadd.s32 $0xFFFFC000  }
0x52: {  	[hbm4b:s21+s3] =	stream.linear.scatter [tilespmem:s14], [sflag:$0x5], $0x4000, $0x38;
	[tilespmem:$0x10520] =	vst v63  }
0x53: {  	_ =	swait.ge [sflag:s22], $0x4000  }
0x54: {  	[sflag:s22] =	ssyncset.done $0x0  }
0x55: {  	[sflag:s22] =	ssyncadd.s32 $0xFFFFC000  }
0x56: {  	[hbm4b:s24+s3] =	stream.linear.scatter [tilespmem:s16], [sflag:$0x5], $0x4000, $0x38;
	[tilespmem:$0x10520] =	vst v63  }
0x57: {  	_ =	swait.ge [sflag:s23], $0x4000  }
0x58: {  	[sflag:s23] =	ssyncset.done $0x0  }
0x59: {  	[sflag:s23] =	ssyncadd.s32 $0xFFFFC000  }
0x5a: {  	_ =	swait.ge [sflag:s23], $0x4000  }
0x5b: {  	[sflag:s23] =	ssyncset.done $0x0  }
0x5c: {  	[sflag:s23] =	ssyncadd.s32 $0xFFFFC000  }
.Ltmp1:
0x5d: {  	_ =	swait.ge [sflag:s23], $0x4000;
	(pc) =	sbr.rel @p1 .LBB2_1-.Ltmp1, $4  }
0x5e: {  	[sflag:s23] =	ssyncset.done $0x0  }
0x5f: {  	[sflag:s23] =	ssyncadd.s32 $0xFFFFC000  }
0x60: {  	_ =	swait.ge [sflag:s23], $0x4000  }
0x61: {  	[sflag:s23] =	ssyncset.done $0x0  }
.LBB2_2:
0x62: {  	[sflag:s23] =	ssyncadd.s32 $0xFFFFC000  }
0x63: {  	_ =	sfence.sel $0x180000  }
0x64: {  	[bflag:$0x0] =	sbarrier.arrive $0xFFFF  }
0x65: {  	_ =	strace $0x90000047  }
0x66: {  	s0 =	sadd.s32 @!p0 $0x100000, s1;
	[bflag:$0x2] =	sbarrier.arrive $0xFFFF  }
0x67: {  	[sflag:s0] =	ssyncadd.tile.s32 @!p0 $0x1;
	_ =	shalt  }
.Lfunc_end2:
_tile_overlayer_lowered:
.L_overlay_start_2:
0x68: {  	(tag) =	ssettag $0x2  }
0x69: {  	s0 =	rddreg [dreg:$0x0];
	s2 =	stileid.u32  }
0x6a: {  	s1 =	rddreg [dreg:$0x1];
	p0 =	sne.s32 s2, $0x0  }
0x6b: {  	s3 =	rddreg [dreg:$0x2];
	[bflag:$0x3] =	sbarrier.arrive $0xFFFF;
	s2 =	simm.s32 @!p0 $0x1C06  }
0x6c: {  	[timem:s3], [sflag:s2] =	dma.local @!p0 [hbm:s0], s1  }
0x6d: {  	s0 =	simm.s32 @!p0 $0x6  }
0x6e: {  	_ =	swait.ge @!p0 [sflag:s0], s1  }
0x6f: {  	s1 =	ssub.s32 @!p0 $0x0, s1;
	[sflag:s0] =	ssyncset.done @!p0 $0x0  }
0x70: {  	[sflag:s0] =	ssyncadd.s32 @!p0 s1  }
0x71: {  	[bflag:$0x3] =	sbarrier.arrive $0xFFFF  }
0x72: {  	_ =	shalt  }

</sc_bundles>
